<compile_context>
chip_gen: v7x
topology: tpu7x:2x2x1
jax: 0.10.2.dev20260603
libtpu: 0.0.44.dev20260713+nightly
codegen_flags: <defaults>
</compile_context>

<pallas_src>
import functools

import jax
import jax.numpy as jnp
from jax import lax
from jax.experimental import pallas as pl
from jax.experimental.pallas import tpu as pltpu
from jax.experimental.pallas import tpu_sc as plsc

B_TOTAL = 4 * 2048
D = 1024
NC, NS = 2, 16
NW = NC * NS
B_PER_W = B_TOTAL // NW
CHUNKS = (96, 96, 64)
CH_MAX = max(CHUNKS)


def _make_gather():
    mesh = plsc.VectorSubcoreMesh(core_axis_name="c", subcore_axis_name="s")

    @functools.partial(
        pl.kernel,
        mesh=mesh,
        out_type=jax.ShapeDtypeStruct((B_TOTAL, D), jnp.float32),
        scratch_types=[
            pltpu.VMEM((B_PER_W,), jnp.int32),
            pltpu.VMEM((CH_MAX, D), jnp.float32),
            pltpu.SemaphoreType.DMA,
        ],
    )
    def k(idx_hbm, table_hbm, out_hbm, idx_v, rows_v, sem):
        wid = lax.axis_index("s") * NC + lax.axis_index("c")
        base = wid * B_PER_W
        pltpu.sync_copy(idx_hbm.at[pl.ds(base, B_PER_W)], idx_v)
        off = 0
        for ch in CHUNKS:
            pltpu.async_copy(
                table_hbm.at[idx_v.at[pl.ds(off, ch)]],
                rows_v.at[pl.ds(0, ch)],
                sem,
            ).wait()
            pltpu.sync_copy(
                rows_v.at[pl.ds(0, ch)], out_hbm.at[pl.ds(base + off, ch)]
            )
            off += ch

    return k


_gather = _make_gather()


@jax.jit
def kernel(src_pos, table):
    idx = src_pos.reshape(-1).astype(jnp.int32)
    out = _gather(idx, table)
    return out.reshape(src_pos.shape + (D,))

# --- scband reference (transcript-rebuilt; emitter-appended) ---
"""Pipeline reference for scband-position-embedding-7352984011027 (READ-ONLY COPY).

The authoritative reference and input builder live on the scoring server;
editing this copy changes nothing except your own understanding.
"""

import jax, jax.numpy as jnp
import numpy as np

SEQ_MAX_LEN = 2048
EMBED_DIM = 1024
PADDING_IDX = 0
BATCH = 4
SEQ_LEN = 2048


def make_sinusoid_table(n_position, d_hid, padding_idx=None):
    pos = np.arange(n_position, dtype=np.float64)[:, None]
    hid = np.arange(d_hid, dtype=np.int64)[None, :]
    angle = pos / np.power(10000.0, 2.0 * (hid // 2) / float(d_hid))
    table = np.array(angle)
    table[:, 0::2] = np.sin(table[:, 0::2])
    table[:, 1::2] = np.cos(table[:, 1::2])
    if padding_idx is not None:
        table[padding_idx] = 0.0
    return jnp.asarray(table, dtype=jnp.float32)


def setup_inputs(seed: int = 0) -> dict:
    key = jax.random.key(seed)
    src_pos = jax.random.randint(key, (BATCH, SEQ_LEN), 0, SEQ_MAX_LEN + 1)
    table = make_sinusoid_table(SEQ_MAX_LEN + 1, EMBED_DIM, padding_idx=PADDING_IDX)
    return {"src_pos": src_pos, "table": table}


def reference(src_pos, table):
    # nn.Embedding lookup == row gather from sinusoid table
    return jnp.take(table, src_pos, axis=0)

if __name__ == "__main__":
    import jax
    _d = setup_inputs()
    print(jax.jit(kernel)(*tuple(_d.values())))

</pallas_src>

<mosaic_0001>
#map = affine_map<(d0, d1) -> (0)>
#map1 = affine_map<(d0, d1) -> (0, 0)>
module attributes {stable_mosaic.version = 14 : i64} {
  func.func @k(%arg0: i32, %arg1: i32, %arg2: memref<8192xi32, #tpu.memory_space<hbm>>, %arg3: memref<2049x1024xf32, #tpu.memory_space<hbm>>, %arg4: memref<8192x1024xf32, #tpu.memory_space<hbm>>, %arg5: memref<256xi32, #tpu.memory_space<vmem>>, %arg6: memref<96x1024xf32, #tpu.memory_space<vmem>>, %arg7: memref<!tpu.dma_semaphore, #tpu.memory_space<semaphore_mem>>) attributes {dimension_semantics = [#tpu.dimension_semantics<core_parallel>, #tpu.dimension_semantics<subcore_parallel>], iteration_bounds = array<i64: 2, 16>, scalar_prefetch = 0 : i64, scratch_operands = 3 : i64, tpu.core_type = #tpu.core_type<sc_vector_subcore>, window_params = [{transform_indices = #map}, {transform_indices = #map1}, {transform_indices = #map1}]} {
    %mul3A = arith.constant 2 : i32
    %mul3A_0 = arith.muli %arg1, %mul3A : i32
    %add3A = arith.addi %mul3A_0, %arg0 : i32
    %mul3A_1 = arith.constant 256 : i32
    %mul3A_2 = arith.muli %add3A, %mul3A_1 : i32
    "tpu.region"() ({
      %run_scoped3A = tpu.sem_alloc : memref<!tpu.dma_semaphore, #tpu.memory_space<semaphore_mem>>
      %dma_start3A_55 = tpu.memref_slice %arg2[%mul3A_2] : memref<8192xi32, #tpu.memory_space<hbm>> -> memref<256xi32, #tpu.memory_space<hbm>>
      %dma_start3A_56 = tpu.memref_slice %arg2[%mul3A_2] : memref<8192xi32, #tpu.memory_space<hbm>> -> memref<256xi32, #tpu.memory_space<hbm>>
      tpu.enqueue_dma source(%dma_start3A_56 : memref<256xi32, #tpu.memory_space<hbm>>) target(%arg5 : memref<256xi32, #tpu.memory_space<vmem>>) target_semaphore(%run_scoped3A : memref<!tpu.dma_semaphore, #tpu.memory_space<semaphore_mem>>)
      %dma_wait3A_57 = tpu.memref_slice %arg2[%mul3A_2] : memref<8192xi32, #tpu.memory_space<hbm>> -> memref<256xi32, #tpu.memory_space<hbm>>
      %dma_wait3A_58 = tpu.memref_slice %arg2[%mul3A_2] : memref<8192xi32, #tpu.memory_space<hbm>> -> memref<256xi32, #tpu.memory_space<hbm>>
      tpu.wait_dma2 semaphore(%run_scoped3A : memref<!tpu.dma_semaphore, #tpu.memory_space<semaphore_mem>>) src(%dma_wait3A_58 : memref<256xi32, #tpu.memory_space<hbm>>) dst(%arg5 : memref<256xi32, #tpu.memory_space<vmem>>)
      tpu.yield
    }) : () -> ()
    %dma_start3A = arith.constant 0 : i32
    %dma_start3A_3 = arith.constant 0 : i32
    %dma_start3A_4 = tpu.memref_slice %arg6[%dma_start3A, %dma_start3A_3] : memref<96x1024xf32, #tpu.memory_space<vmem>> -> memref<96x1024xf32, #tpu.memory_space<vmem>>
    %dma_start3A_5 = arith.constant 0 : i32
    %dma_start3A_6 = tpu.memref_slice %arg5[%dma_start3A_5] : memref<256xi32, #tpu.memory_space<vmem>> -> memref<96xi32, #tpu.memory_space<vmem>>
    %dma_start3A_7 = arith.constant 0 : i32
    %dma_start3A_8 = arith.constant 0 : i32
    %dma_start3A_9 = tpu.memref_slice %arg3[%dma_start3A_7, %dma_start3A_8] : memref<2049x1024xf32, #tpu.memory_space<hbm>> -> memref<2049x1024xf32, #tpu.memory_space<hbm>>
    tpu.enqueue_indirect_dma source(%dma_start3A_9 : memref<2049x1024xf32, #tpu.memory_space<hbm>>) target(%dma_start3A_4 : memref<96x1024xf32, #tpu.memory_space<vmem>>) offsets(%dma_start3A_6 : memref<96xi32, #tpu.memory_space<vmem>>) semaphore(%arg7 : memref<!tpu.dma_semaphore, #tpu.memory_space<semaphore_mem>>)
    %dma_wait3A = arith.constant 0 : i32
    %dma_wait3A_10 = arith.constant 0 : i32
    %dma_wait3A_11 = tpu.memref_slice %arg6[%dma_wait3A, %dma_wait3A_10] : memref<96x1024xf32, #tpu.memory_space<vmem>> -> memref<96x1024xf32, #tpu.memory_space<vmem>>
    %dma_wait3A_12 = arith.constant 0 : i32
    %dma_wait3A_13 = tpu.memref_slice %arg5[%dma_wait3A_12] : memref<256xi32, #tpu.memory_space<vmem>> -> memref<96xi32, #tpu.memory_space<vmem>>
    %dma_wait3A_14 = arith.constant 0 : i32
    %dma_wait3A_15 = arith.constant 0 : i32
    %dma_wait3A_16 = tpu.memref_slice %arg3[%dma_wait3A_14, %dma_wait3A_15] : memref<2049x1024xf32, #tpu.memory_space<hbm>> -> memref<2049x1024xf32, #tpu.memory_space<hbm>>
    tpu.wait_indirect_dma semaphore(%arg7 : memref<!tpu.dma_semaphore, #tpu.memory_space<semaphore_mem>>) src(%dma_wait3A_16 : memref<2049x1024xf32, #tpu.memory_space<hbm>>) dst(%dma_wait3A_11 : memref<96x1024xf32, #tpu.memory_space<vmem>>)
    %add3A_17 = arith.constant 0 : i32
    %add3A_18 = arith.addi %mul3A_2, %add3A_17 : i32
    "tpu.region"() ({
      %run_scoped3A = tpu.sem_alloc : memref<!tpu.dma_semaphore, #tpu.memory_space<semaphore_mem>>
      %dma_start3A_55 = arith.constant 0 : i32
      %dma_start3A_56 = arith.constant 0 : i32
      %dma_start3A_57 = tpu.memref_slice %arg6[%dma_start3A_55, %dma_start3A_56] : memref<96x1024xf32, #tpu.memory_space<vmem>> -> memref<96x1024xf32, #tpu.memory_space<vmem>>
      %dma_start3A_58 = arith.constant 0 : i32
      %dma_start3A_59 = tpu.memref_slice %arg4[%add3A_18, %dma_start3A_58] : memref<8192x1024xf32, #tpu.memory_space<hbm>> -> memref<96x1024xf32, #tpu.memory_space<hbm>>
      %dma_start3A_60 = arith.constant 0 : i32
      %dma_start3A_61 = tpu.memref_slice %arg4[%add3A_18, %dma_start3A_60] : memref<8192x1024xf32, #tpu.memory_space<hbm>> -> memref<96x1024xf32, #tpu.memory_space<hbm>>
      %dma_start3A_62 = arith.constant 0 : i32
      %dma_start3A_63 = arith.constant 0 : i32
      %dma_start3A_64 = tpu.memref_slice %arg6[%dma_start3A_62, %dma_start3A_63] : memref<96x1024xf32, #tpu.memory_space<vmem>> -> memref<96x1024xf32, #tpu.memory_space<vmem>>
      tpu.enqueue_dma source(%dma_start3A_64 : memref<96x1024xf32, #tpu.memory_space<vmem>>) target(%dma_start3A_61 : memref<96x1024xf32, #tpu.memory_space<hbm>>) target_semaphore(%run_scoped3A : memref<!tpu.dma_semaphore, #tpu.memory_space<semaphore_mem>>)
      %dma_wait3A_65 = arith.constant 0 : i32
      %dma_wait3A_66 = arith.constant 0 : i32
      %dma_wait3A_67 = tpu.memref_slice %arg6[%dma_wait3A_65, %dma_wait3A_66] : memref<96x1024xf32, #tpu.memory_space<vmem>> -> memref<96x1024xf32, #tpu.memory_space<vmem>>
      %dma_wait3A_68 = arith.constant 0 : i32
      %dma_wait3A_69 = tpu.memref_slice %arg4[%add3A_18, %dma_wait3A_68] : memref<8192x1024xf32, #tpu.memory_space<hbm>> -> memref<96x1024xf32, #tpu.memory_space<hbm>>
      %dma_wait3A_70 = arith.constant 0 : i32
      %dma_wait3A_71 = tpu.memref_slice %arg4[%add3A_18, %dma_wait3A_70] : memref<8192x1024xf32, #tpu.memory_space<hbm>> -> memref<96x1024xf32, #tpu.memory_space<hbm>>
      %dma_wait3A_72 = arith.constant 0 : i32
      %dma_wait3A_73 = arith.constant 0 : i32
      %dma_wait3A_74 = tpu.memref_slice %arg6[%dma_wait3A_72, %dma_wait3A_73] : memref<96x1024xf32, #tpu.memory_space<vmem>> -> memref<96x1024xf32, #tpu.memory_space<vmem>>
      tpu.wait_dma2 semaphore(%run_scoped3A : memref<!tpu.dma_semaphore, #tpu.memory_space<semaphore_mem>>) src(%dma_wait3A_74 : memref<96x1024xf32, #tpu.memory_space<vmem>>) dst(%dma_wait3A_71 : memref<96x1024xf32, #tpu.memory_space<hbm>>)
      tpu.yield
    }) : () -> ()
    %dma_start3A_19 = arith.constant 0 : i32
    %dma_start3A_20 = arith.constant 0 : i32
    %dma_start3A_21 = tpu.memref_slice %arg6[%dma_start3A_19, %dma_start3A_20] : memref<96x1024xf32, #tpu.memory_space<vmem>> -> memref<96x1024xf32, #tpu.memory_space<vmem>>
    %dma_start3A_22 = arith.constant 96 : i32
    %dma_start3A_23 = tpu.memref_slice %arg5[%dma_start3A_22] : memref<256xi32, #tpu.memory_space<vmem>> -> memref<96xi32, #tpu.memory_space<vmem>>
    %dma_start3A_24 = arith.constant 0 : i32
    %dma_start3A_25 = arith.constant 0 : i32
    %dma_start3A_26 = tpu.memref_slice %arg3[%dma_start3A_24, %dma_start3A_25] : memref<2049x1024xf32, #tpu.memory_space<hbm>> -> memref<2049x1024xf32, #tpu.memory_space<hbm>>
    tpu.enqueue_indirect_dma source(%dma_start3A_26 : memref<2049x1024xf32, #tpu.memory_space<hbm>>) target(%dma_start3A_21 : memref<96x1024xf32, #tpu.memory_space<vmem>>) offsets(%dma_start3A_23 : memref<96xi32, #tpu.memory_space<vmem>>) semaphore(%arg7 : memref<!tpu.dma_semaphore, #tpu.memory_space<semaphore_mem>>)
    %dma_wait3A_27 = arith.constant 0 : i32
    %dma_wait3A_28 = arith.constant 0 : i32
    %dma_wait3A_29 = tpu.memref_slice %arg6[%dma_wait3A_27, %dma_wait3A_28] : memref<96x1024xf32, #tpu.memory_space<vmem>> -> memref<96x1024xf32, #tpu.memory_space<vmem>>
    %dma_wait3A_30 = arith.constant 96 : i32
    %dma_wait3A_31 = tpu.memref_slice %arg5[%dma_wait3A_30] : memref<256xi32, #tpu.memory_space<vmem>> -> memref<96xi32, #tpu.memory_space<vmem>>
    %dma_wait3A_32 = arith.constant 0 : i32
    %dma_wait3A_33 = arith.constant 0 : i32
    %dma_wait3A_34 = tpu.memref_slice %arg3[%dma_wait3A_32, %dma_wait3A_33] : memref<2049x1024xf32, #tpu.memory_space<hbm>> -> memref<2049x1024xf32, #tpu.memory_space<hbm>>
    tpu.wait_indirect_dma semaphore(%arg7 : memref<!tpu.dma_semaphore, #tpu.memory_space<semaphore_mem>>) src(%dma_wait3A_34 : memref<2049x1024xf32, #tpu.memory_space<hbm>>) dst(%dma_wait3A_29 : memref<96x1024xf32, #tpu.memory_space<vmem>>)
    %add3A_35 = arith.constant 96 : i32
    %add3A_36 = arith.addi %mul3A_2, %add3A_35 : i32
    "tpu.region"() ({
      %run_scoped3A = tpu.sem_alloc : memref<!tpu.dma_semaphore, #tpu.memory_space<semaphore_mem>>
      %dma_start3A_55 = arith.constant 0 : i32
      %dma_start3A_56 = arith.constant 0 : i32
      %dma_start3A_57 = tpu.memref_slice %arg6[%dma_start3A_55, %dma_start3A_56] : memref<96x1024xf32, #tpu.memory_space<vmem>> -> memref<96x1024xf32, #tpu.memory_space<vmem>>
      %dma_start3A_58 = arith.constant 0 : i32
      %dma_start3A_59 = tpu.memref_slice %arg4[%add3A_36, %dma_start3A_58] : memref<8192x1024xf32, #tpu.memory_space<hbm>> -> memref<96x1024xf32, #tpu.memory_space<hbm>>
      %dma_start3A_60 = arith.constant 0 : i32
      %dma_start3A_61 = tpu.memref_slice %arg4[%add3A_36, %dma_start3A_60] : memref<8192x1024xf32, #tpu.memory_space<hbm>> -> memref<96x1024xf32, #tpu.memory_space<hbm>>
      %dma_start3A_62 = arith.constant 0 : i32
      %dma_start3A_63 = arith.constant 0 : i32
      %dma_start3A_64 = tpu.memref_slice %arg6[%dma_start3A_62, %dma_start3A_63] : memref<96x1024xf32, #tpu.memory_space<vmem>> -> memref<96x1024xf32, #tpu.memory_space<vmem>>
      tpu.enqueue_dma source(%dma_start3A_64 : memref<96x1024xf32, #tpu.memory_space<vmem>>) target(%dma_start3A_61 : memref<96x1024xf32, #tpu.memory_space<hbm>>) target_semaphore(%run_scoped3A : memref<!tpu.dma_semaphore, #tpu.memory_space<semaphore_mem>>)
      %dma_wait3A_65 = arith.constant 0 : i32
      %dma_wait3A_66 = arith.constant 0 : i32
      %dma_wait3A_67 = tpu.memref_slice %arg6[%dma_wait3A_65, %dma_wait3A_66] : memref<96x1024xf32, #tpu.memory_space<vmem>> -> memref<96x1024xf32, #tpu.memory_space<vmem>>
      %dma_wait3A_68 = arith.constant 0 : i32
      %dma_wait3A_69 = tpu.memref_slice %arg4[%add3A_36, %dma_wait3A_68] : memref<8192x1024xf32, #tpu.memory_space<hbm>> -> memref<96x1024xf32, #tpu.memory_space<hbm>>
      %dma_wait3A_70 = arith.constant 0 : i32
      %dma_wait3A_71 = tpu.memref_slice %arg4[%add3A_36, %dma_wait3A_70] : memref<8192x1024xf32, #tpu.memory_space<hbm>> -> memref<96x1024xf32, #tpu.memory_space<hbm>>
      %dma_wait3A_72 = arith.constant 0 : i32
      %dma_wait3A_73 = arith.constant 0 : i32
      %dma_wait3A_74 = tpu.memref_slice %arg6[%dma_wait3A_72, %dma_wait3A_73] : memref<96x1024xf32, #tpu.memory_space<vmem>> -> memref<96x1024xf32, #tpu.memory_space<vmem>>
      tpu.wait_dma2 semaphore(%run_scoped3A : memref<!tpu.dma_semaphore, #tpu.memory_space<semaphore_mem>>) src(%dma_wait3A_74 : memref<96x1024xf32, #tpu.memory_space<vmem>>) dst(%dma_wait3A_71 : memref<96x1024xf32, #tpu.memory_space<hbm>>)
      tpu.yield
    }) : () -> ()
    %dma_start3A_37 = arith.constant 0 : i32
    %dma_start3A_38 = arith.constant 0 : i32
    %dma_start3A_39 = tpu.memref_slice %arg6[%dma_start3A_37, %dma_start3A_38] : memref<96x1024xf32, #tpu.memory_space<vmem>> -> memref<64x1024xf32, #tpu.memory_space<vmem>>
    %dma_start3A_40 = arith.constant 192 : i32
    %dma_start3A_41 = tpu.memref_slice %arg5[%dma_start3A_40] : memref<256xi32, #tpu.memory_space<vmem>> -> memref<64xi32, #tpu.memory_space<vmem>>
    %dma_start3A_42 = arith.constant 0 : i32
    %dma_start3A_43 = arith.constant 0 : i32
    %dma_start3A_44 = tpu.memref_slice %arg3[%dma_start3A_42, %dma_start3A_43] : memref<2049x1024xf32, #tpu.memory_space<hbm>> -> memref<2049x1024xf32, #tpu.memory_space<hbm>>
    tpu.enqueue_indirect_dma source(%dma_start3A_44 : memref<2049x1024xf32, #tpu.memory_space<hbm>>) target(%dma_start3A_39 : memref<64x1024xf32, #tpu.memory_space<vmem>>) offsets(%dma_start3A_41 : memref<64xi32, #tpu.memory_space<vmem>>) semaphore(%arg7 : memref<!tpu.dma_semaphore, #tpu.memory_space<semaphore_mem>>)
    %dma_wait3A_45 = arith.constant 0 : i32
    %dma_wait3A_46 = arith.constant 0 : i32
    %dma_wait3A_47 = tpu.memref_slice %arg6[%dma_wait3A_45, %dma_wait3A_46] : memref<96x1024xf32, #tpu.memory_space<vmem>> -> memref<64x1024xf32, #tpu.memory_space<vmem>>
    %dma_wait3A_48 = arith.constant 192 : i32
    %dma_wait3A_49 = tpu.memref_slice %arg5[%dma_wait3A_48] : memref<256xi32, #tpu.memory_space<vmem>> -> memref<64xi32, #tpu.memory_space<vmem>>
    %dma_wait3A_50 = arith.constant 0 : i32
    %dma_wait3A_51 = arith.constant 0 : i32
    %dma_wait3A_52 = tpu.memref_slice %arg3[%dma_wait3A_50, %dma_wait3A_51] : memref<2049x1024xf32, #tpu.memory_space<hbm>> -> memref<2049x1024xf32, #tpu.memory_space<hbm>>
    tpu.wait_indirect_dma semaphore(%arg7 : memref<!tpu.dma_semaphore, #tpu.memory_space<semaphore_mem>>) src(%dma_wait3A_52 : memref<2049x1024xf32, #tpu.memory_space<hbm>>) dst(%dma_wait3A_47 : memref<64x1024xf32, #tpu.memory_space<vmem>>)
    %add3A_53 = arith.constant 192 : i32
    %add3A_54 = arith.addi %mul3A_2, %add3A_53 : i32
    "tpu.region"() ({
      %run_scoped3A = tpu.sem_alloc : memref<!tpu.dma_semaphore, #tpu.memory_space<semaphore_mem>>
      %dma_start3A_55 = arith.constant 0 : i32
      %dma_start3A_56 = arith.constant 0 : i32
      %dma_start3A_57 = tpu.memref_slice %arg6[%dma_start3A_55, %dma_start3A_56] : memref<96x1024xf32, #tpu.memory_space<vmem>> -> memref<64x1024xf32, #tpu.memory_space<vmem>>
      %dma_start3A_58 = arith.constant 0 : i32
      %dma_start3A_59 = tpu.memref_slice %arg4[%add3A_54, %dma_start3A_58] : memref<8192x1024xf32, #tpu.memory_space<hbm>> -> memref<64x1024xf32, #tpu.memory_space<hbm>>
      %dma_start3A_60 = arith.constant 0 : i32
      %dma_start3A_61 = tpu.memref_slice %arg4[%add3A_54, %dma_start3A_60] : memref<8192x1024xf32, #tpu.memory_space<hbm>> -> memref<64x1024xf32, #tpu.memory_space<hbm>>
      %dma_start3A_62 = arith.constant 0 : i32
      %dma_start3A_63 = arith.constant 0 : i32
      %dma_start3A_64 = tpu.memref_slice %arg6[%dma_start3A_62, %dma_start3A_63] : memref<96x1024xf32, #tpu.memory_space<vmem>> -> memref<64x1024xf32, #tpu.memory_space<vmem>>
      tpu.enqueue_dma source(%dma_start3A_64 : memref<64x1024xf32, #tpu.memory_space<vmem>>) target(%dma_start3A_61 : memref<64x1024xf32, #tpu.memory_space<hbm>>) target_semaphore(%run_scoped3A : memref<!tpu.dma_semaphore, #tpu.memory_space<semaphore_mem>>)
      %dma_wait3A_65 = arith.constant 0 : i32
      %dma_wait3A_66 = arith.constant 0 : i32
      %dma_wait3A_67 = tpu.memref_slice %arg6[%dma_wait3A_65, %dma_wait3A_66] : memref<96x1024xf32, #tpu.memory_space<vmem>> -> memref<64x1024xf32, #tpu.memory_space<vmem>>
      %dma_wait3A_68 = arith.constant 0 : i32
      %dma_wait3A_69 = tpu.memref_slice %arg4[%add3A_54, %dma_wait3A_68] : memref<8192x1024xf32, #tpu.memory_space<hbm>> -> memref<64x1024xf32, #tpu.memory_space<hbm>>
      %dma_wait3A_70 = arith.constant 0 : i32
      %dma_wait3A_71 = tpu.memref_slice %arg4[%add3A_54, %dma_wait3A_70] : memref<8192x1024xf32, #tpu.memory_space<hbm>> -> memref<64x1024xf32, #tpu.memory_space<hbm>>
      %dma_wait3A_72 = arith.constant 0 : i32
      %dma_wait3A_73 = arith.constant 0 : i32
      %dma_wait3A_74 = tpu.memref_slice %arg6[%dma_wait3A_72, %dma_wait3A_73] : memref<96x1024xf32, #tpu.memory_space<vmem>> -> memref<64x1024xf32, #tpu.memory_space<vmem>>
      tpu.wait_dma2 semaphore(%run_scoped3A : memref<!tpu.dma_semaphore, #tpu.memory_space<semaphore_mem>>) src(%dma_wait3A_74 : memref<64x1024xf32, #tpu.memory_space<vmem>>) dst(%dma_wait3A_71 : memref<64x1024xf32, #tpu.memory_space<hbm>>)
      tpu.yield
    }) : () -> ()
    return
  }
}

</mosaic_0001>

<sc_bundles>
// kernel: kernel.3.cloned.1.call-start
scs
__scs_entry_jumppad:
0x0: {  	(pc) =	sbr.rel $0x88, $3  }
0x1: {  	(tag) =	ssettag $0x0;
	lr =	simm.s32 $0x1  }
0x2: {  	[smem:$0x3F9F] =	sst lr;
	_ =	strace $0xD0000000  }
0x3: {  	_ = 	snop  }
0x4: {  	_ = 	snop  }
0x5: {  	_ = 	snop  }
0x6: {  	_ = 	snop  }
0x7: {  	_ = 	snop  }
__scs_overlays_trampoline_lowered:
0x8: {  	[smem:$0x3FAE] =	sst s0  }
0x9: {  	[smem:$0x3FAF] =	sst s1  }
0xa: {  	[smem:$0x3FB0] =	sst s2  }
0xb: {  	[smem:$0x3FB1] =	sst s3  }
0xc: {  	[smem:$0x3FB2] =	sst s4  }
0xd: {  	[smem:$0x3FB3] =	sst s5  }
0xe: {  	[smem:$0x3FB4] =	sst s6  }
0xf: {  	[smem:$0x3FB5] =	sst s7  }
0x10: {  	[smem:$0x3FB6] =	sst s8  }
0x11: {  	[smem:$0x3FB7] =	sst s9;
	s0 =	simm.s32 @!p0 $0x0  }
0x12: {  	s1 =	sld [smem:$0x3F9D];
	s0 =	simm.s32 @p0 $0x1  }
0x13: {  	[smem:$0x3FB8] =	sst s0;
	s0 =	simm.s32 @!p1 $0x0  }
0x14: {  	s2 =	sld [smem:$0x3F9C];
	s0 =	simm.s32 @p1 $0x1  }
0x15: {  	[smem:$0x3FB9] =	sst s0;
	s0 =	simm.s32 @!p2 $0x0  }
0x16: {  	s3 =	sld [smem:$0x3FDB];
	s0 =	simm.s32 @p2 $0x1  }
0x17: {  	s4 =	simm.s32 $0x1BF5;
	[smem:$0x3FBB] =	sst s0  }
0x18: {  	s0 =	sld [smem:$0x3F9E];
	_ =	swait.ge [sflag:s4], $0x0  }
0x19: {  	s7 =	sld [smem:$0x3F9F]  }
0x1a: {  	s8 =	sadd.s32 $0xFFFFE003, lr  }
0x1b: {  	s9 =	sadd.s32 $0xFFFFFEF7, lr;
	s5 =	simm.s32 $0xFFFFFFFF;
	p2 =	slt.u32 s8, $0xFFFFF086  }
0x1c: {  	p1 =	slt.u32 s9, $0xF7A;
	s5 =	simm.s32 @!p2 $0x0  }
0x1d: {  	s5 =	simm.s32 @p1 $0x1;
	p0 =	seq.s32 s7, s2  }
0x1e: {  	s7 =	smul.u32 @!p0 $0xF7A, s2;
	p2 =	seq.s32 @!p0 s5, $0x0  }
0x1f: {  	s9 =	smul.u32 $0xF7A, s1;
	s8 =	simm.s32 @!p0 $0x1BF5;
	p2 =	por !p2, p0  }
0x20: {  	[sflag:s8] =	ssyncset.s32 @!p0 $0xFFFFF086;
	s6 =	sadd.s32 @!p0 s3, s7;
	s7 =	simm.s32 @!p0 $0x108  }
0x21: {  	s3 =	sadd.s32 s3, s9;
	s6 =	sadd.s32 @!p0 $0x88, s6;
	s7 =	simm.s32 @p2 $0x1082  }
0x22: {  	[simem:s7], [sflag:s8] =	dma.local @!p0 [hbm:s6], $0xF7A  }
0x23: {  	s9 =	sor.u32 $0xD0000000, s2;
	s6 =	simm.s32 $0x108;
	_ =	swait.ge @!p0 [sflag:s8], $0x0  }
0x24: {  	s3 =	sadd.s32 $0x88, s3;
	s6 =	simm.s32 @!p1 $0x1082;
	[sflag:s4] =	ssyncset.s32 $0xFFFFF086  }
0x25: {  	[simem:s6], [sflag:s4] =	dma.local [hbm:s3], $0xF7A  }
0x26: {  	[smem:$0x3F9F] =	sst s1;
	(tag) =	ssettag s2;
	_ =	strace s9  }
0x27: {  	s1 =	sld [smem:$0x3FAF]  }
0x28: {  	s2 =	sld [smem:$0x3FB0]  }
0x29: {  	s4 =	sld [smem:$0x3FB2]  }
0x2a: {  	p0 =	seq.s32 s5, $0x0;
	s5 =	sld [smem:$0x3FB3]  }
0x2b: {  	s6 =	sld [smem:$0x3FB4]  }
0x2c: {  	s7 =	sld [smem:$0x3FB5]  }
0x2d: {  	s3 =	simm.s32 $0x108;
	s8 =	sld [smem:$0x3FB6]  }
0x2e: {  	s3 =	simm.s32 @!p0 $0x1082;
	s9 =	sld [smem:$0x3FB7]  }
0x2f: {  	lr =	sadd.s32 s0, s3;
	s0 =	sld [smem:$0x3FAE]  }
0x30: {  	s3 =	sld [smem:$0x3FB1]  }
0x31: {  	[smem:$0x3FBA] =	sst s10  }
0x32: {  	s10 =	sld [smem:$0x3FB8];
	_ =	sdelay $0x3  }
0x33: {  	p0 =	seq.s32 s10, $0x1;
	s10 =	sld [smem:$0x3FBA];
	_ =	sdelay $0x3  }
0x34: {  	[smem:$0x3FBA] =	sst s10  }
0x35: {  	s10 =	sld [smem:$0x3FB9];
	_ =	sdelay $0x3  }
0x36: {  	p1 =	seq.s32 s10, $0x1;
	s10 =	sld [smem:$0x3FBA];
	_ =	sdelay $0x3  }
0x37: {  	[smem:$0x3FBA] =	sst s10  }
0x38: {  	s10 =	sld [smem:$0x3FBB]  }
0x39: {  	_ = 	snop;
	(pc) =	sbr.ind lr, $3  }
0x3a: {  	_ = 	snop  }
0x3b: {  	_ = 	snop  }
0x3c: {  	p2 =	seq.s32 s10, $0x1;
	s10 =	sld [smem:$0x3FBA]  }
0x3d: {  	_ =	shalt  }
0x3e: {  	_ =	shalt  }
0x3f: {  	_ =	shalt  }
0x40: {  	_ =	shalt  }
0x41: {  	_ =	shalt  }
0x42: {  	_ =	shalt  }
0x43: {  	_ =	shalt  }
0x44: {  	_ =	shalt  }
0x45: {  	_ =	shalt  }
0x46: {  	_ =	shalt  }
0x47: {  	_ =	shalt  }
0x48: {  	_ =	shalt  }
0x49: {  	_ =	shalt  }
0x4a: {  	_ =	shalt  }
0x4b: {  	_ =	shalt  }
0x4c: {  	_ =	shalt  }
0x4d: {  	_ =	shalt  }
0x4e: {  	_ =	shalt  }
0x4f: {  	_ =	shalt  }
0x50: {  	_ =	shalt  }
0x51: {  	_ =	shalt  }
0x52: {  	_ =	shalt  }
0x53: {  	_ =	shalt  }
0x54: {  	_ =	shalt  }
0x55: {  	_ =	shalt  }
0x56: {  	_ =	shalt  }
0x57: {  	_ =	shalt  }
0x58: {  	_ =	shalt  }
0x59: {  	_ =	shalt  }
0x5a: {  	_ =	shalt  }
0x5b: {  	_ =	shalt  }
0x5c: {  	_ =	shalt  }
0x5d: {  	_ =	shalt  }
0x5e: {  	_ =	shalt  }
0x5f: {  	_ =	shalt  }
0x60: {  	_ =	shalt  }
0x61: {  	_ =	shalt  }
0x62: {  	_ =	shalt  }
0x63: {  	_ =	shalt  }
0x64: {  	_ =	shalt  }
0x65: {  	_ =	shalt  }
0x66: {  	_ =	shalt  }
0x67: {  	_ =	shalt  }
0x68: {  	_ =	shalt  }
0x69: {  	_ =	shalt  }
0x6a: {  	_ =	shalt  }
0x6b: {  	_ =	shalt  }
0x6c: {  	_ =	shalt  }
0x6d: {  	_ =	shalt  }
0x6e: {  	_ =	shalt  }
0x6f: {  	_ =	shalt  }
0x70: {  	_ =	shalt  }
0x71: {  	_ =	shalt  }
0x72: {  	_ =	shalt  }
0x73: {  	_ =	shalt  }
0x74: {  	_ =	shalt  }
0x75: {  	_ =	shalt  }
0x76: {  	_ =	shalt  }
0x77: {  	_ =	shalt  }
0x78: {  	_ =	shalt  }
0x79: {  	_ =	shalt  }
0x7a: {  	_ =	shalt  }
0x7b: {  	_ =	shalt  }
0x7c: {  	_ =	shalt  }
0x7d: {  	_ =	shalt  }
0x7e: {  	_ =	shalt  }
0x7f: {  	_ =	shalt  }
0x80: {  	_ =	shalt  }
0x81: {  	_ =	shalt  }
0x82: {  	_ =	shalt  }
0x83: {  	_ =	shalt  }
0x84: {  	_ =	shalt  }
0x85: {  	_ =	shalt  }
0x86: {  	_ =	shalt  }
0x87: {  	_ =	shalt  }
.Lfunc_end0:
.L_simem_size_0:
called_computation_lowered:
.L_overlay_start_0:
0x88: {  	s2 =	sld [smem:$0x3FD9]  }
0x89: {  	s3 =	sld [smem:$0x3FFE];
	_ =	sdelay $0x1  }
0x8a: {  	s1 =	srdreg.scid  }
0x8b: {  	s0 =	sand.u32 $0x1, s1  }
0x8c: {  	s17 =	sshll.u32 s0, $0xA;
	s2 =	sadd.s32 s3, s2  }
0x8d: {  	s2 =	sadd.s32 s2, s17  }
0x8e: {  	[smem:$0x3FC6] =	sst s2  }
0x8f: {  	_ = 	snop  }
0x90: {  	s2 =	sld [smem:$0x3FC8]  }
0x91: {  	s18 =	sld [smem:$0x3FD0];
	(tm) =	ssettm $0x1  }
0x92: {  	s4 =	sld [smem:$0x3FFB];
	_ =	sdelay $0x3  }
0x93: {  	_ =	strace s4  }
0x94: {  	s4 =	sld [smem:$0x3FFC];
	_ =	sdelay $0x3  }
0x95: {  	_ =	strace s4  }
0x96: {  	s4 =	sld [smem:$0x3FFD];
	_ =	sdelay $0x3  }
0x97: {  	_ =	strace s4  }
0x98: {  	_ =	strace $0x8FFFFFFF  }
0x99: {  	s19 =	sld [smem:$0x3FDB];
	_ =	sdelay $0x1  }
0x9a: {  	s5 =	simm.s32 $_scs_section_size  }
0x9b: {  	s6 =	simm.s32 $_size__tile_overlayer_lowered;
	s7 =	simm.s32 $_tile_overlayer_lowered  }
0x9c: {  	s22 =	simm.s32 $0x1BFF;
	s21 =	sshll.u32 s7, $0x1;
	s4 =	sadd.s32 s5, s19  }
0x9d: {  	s8 =	simm.s32 $0x0;
	s20 =	sshll.u32 s6, $0x1;
	s6 =	sadd.s32 s21, s4  }
0x9e: {  	[timem:s8], [sflag:s22] =	dma.local [hbm:s6], s20  }
0x9f: {  	_ =	swait.ge [sflag:s22], s20  }
0xa0: {  	s5 =	ssub.s32 $0x0, s20;
	[sflag:s22] =	ssyncset.done $0x0  }
0xa1: {  	[sflag:s22] =	ssyncadd.s32 s5;
	_ =	sdelay $0x1  }
0xa2: {  	s23 =	simm.s32 $0x1B8B  }
0xa3: {  	_ =	swait.ge [sflag:s23], $0x1  }
0xa4: {  	[sflag:s23] =	ssyncset.done $0x0  }
0xa5: {  	s25 =	simm.s32 $0x1B8E;
	s24 =	sld [smem:$0x3FFE];
	[sflag:s23] =	ssyncadd.s32 $0xFFFFFFFF  }
0xa6: {  	s26 =	simm.s32 $execute0_lowered;
	[smem:$0x3FD2] =	sst s25  }
0xa7: {  	s6 =	sshll.u32 s26, $0x1;
	_ =	strace $0x80000046;
	[dreg:$0x1] =	wrdreg $0xFFFFFFFF  }
0xa8: {  	s28 =	simm.s32 $_size_execute0_lowered;
	s4 =	sadd.s32 s4, s6;
	[dreg:$0x0] =	wrdreg $0x0  }
0xa9: {  	s6 =	sshll.u32 s28, $0x1;
	[dreg:$0x2] =	wrdreg s4  }
0xaa: {  	[dreg:$0x3] =	wrdreg s6  }
0xab: {  	[dreg:$0x4] =	wrdreg $0xC0  }
0xac: {  	_ =	task [dreg:s8], $0x5FFFF  }
0xad: {  	[dreg:$0x1] =	wrdreg $0xFFFFFFFF  }
0xae: {  	[dreg:$0x0] =	wrdreg $0x60  }
0xaf: {  	[dreg:$0x2] =	wrdreg s24  }
0xb0: {  	[dreg:$0x3] =	wrdreg s2  }
0xb1: {  	[dreg:$0x4] =	wrdreg s18  }
0xb2: {  	[dreg:$0x5] =	wrdreg $0x9  }
0xb3: {  	_ =	task.clear_ibuf [dreg:s8], $0x6FFFF;
	_ =	strace $0x90000046  }
0xb4: {  	s29 =	simm.s32 $0x9;
	_ =	strace $0x80000048  }
0xb5: {  	_ =	swait.ge [sflag:s29], $0x1  }
0xb6: {  	[sflag:s29] =	ssyncadd.s32 $0xFFFFFFFF  }
0xb7: {  	_ =	strace $0x90000048  }
0xb8: {  	_ =	sfence  }
0xb9: {  	s30 =	sld [smem:$0x0];
	_ =	sdelay $0x2  }
0xba: {  	s31 =	sshll.u32 s1, $0xD;
	s1 =	sshrl.u32 s1, $0x2  }
0xbb: {  	s3 =	sand.u32 $0x4000, s31;
	s1 =	sadd.s32 s1, s30  }
0xbc: {  	s0 =	sor.u32 s3, s0;
	s1 =	sshll.u32 s1, $0x11  }
0xbd: {  	s0 =	sor.u32 s1, s0  }
0xbe: {  	s0 =	sadd.s32 $0x8F2B, s0  }
0xbf: {  	[sflag:s0] =	ssyncadd.remote.s32 $0x1  }
0xc0: {  	_ =	sfence.sel $0xFFFF  }
0xc1: {  	[dreg:$0x0] =	wrdreg $0xFFFFFFFF;
	(pc) =	sbr.abs _section_cstart, $3  }
0xc2: {  	[dreg:$0x1] =	wrdreg $0xFFFFFFFF  }
0xc3: {  	_ =	task.clear_ibuf [dreg:s8], $0x2FFFF;
	_ =	strace $0x9FFFFFFF  }
0xc4: {  	(tm) =	ssettm $0x7FFFFFFF  }
0xc5: {  	_ =	shalt  }
tec
execute0_lowered:
.L_overlay_start_1:
0x0: {  	(tag) =	ssettag $0x1  }
0x1: {  	s0 =	rddreg [dreg:$0x0]  }
0x2: {  	s2 =	rddreg [dreg:$0x1]  }
0x3: {  	s1 =	rddreg [dreg:$0x2]  }
0x4: {  	s3 =	srdreg.scid;
	s5 =	stileid.u32  }
0x5: {  	s9 =	simm.s32 $0x2;
	s19 =	simm.s32 $0x1;
	s28 =	simm.s32 $0x3900  }
0x6: {  	s29 =	simm.s32 $0x4100;
	s30 =	simm.s32 $0x4900;
	s31 =	simm.s32 $0x5100  }
0x7: {  	s10 =	simm.s32 $0x11100;
	s11 =	simm.s32 $0x11900;
	s12 =	simm.s32 $0x12100  }
0x8: {  	s13 =	simm.s32 $0x12900;
	s14 =	simm.s32 $0x13100;
	s15 =	simm.s32 $0x13900  }
0x9: {  	s16 =	simm.s32 $0x14100;
	s17 =	simm.s32 $0x14900;
	s18 =	simm.s32 $0x15100  }
0xa: {  	s21 =	simm.s32 $0x15900;
	s22 =	simm.s32 $0x16100;
	s4 =	sand.u32 $0x1, s3  }
0xb: {  	s3 =	simm.s32 $0x0;
	s5 =	sshll.u32 s5, $0x9;
	s6 =	sshll.u32 s4, $0x8  }
0xc: {  	[smem:$0x7FF] =	sst s3;
	s4 =	ssub.s32 $0x2, s4;
	s5 =	sor.u32 s6, s5  }
0xd: {  	_ =	strace $0x80000047;
	s23 =	sshrl.u32 s4, $0x1;
	s6 =	sshrl.u32 s5, $0x3  }
0xe: {  	s5 =	sshll.u32 s5, $0x7;
	s24 =	ssub.s32 s4, s23;
	s4 =	simm.s32 $0x10900  }
0xf: {  	s23 =	simm.s32 $0x16900;
	s0 =	sadd.s32 s6, s0;
	s7 =	sadd.s32 s1, s5  }
0x10: {  	s5 =	sadd.s32 $0x100, s2;
	s0 =	sadd.s32 $0x400, s0;
	[dreg:$0x7] =	wrdreg s7  }
0x11: {  	s6 =	sadd.s32 $0x200, s2;
	s25 =	sadd.s32 $0x3000, s7;
	[dreg:$0x4] =	wrdreg s0  }
0x12: {  	v2 =	vlaneseq.u32;
	s8 =	smax.u32 s24, $0x1;
	s26 =	sadd.s32 $0x6000, s7;
	[dreg:$0x5] =	wrdreg s25  }
0x13: {  	vm0 =	vmmov $0xffff;
	v1 =	vshrl.u32 v2, $0x3;
	s24 =	simm.s32 $0x17100;
	s7 =	sadd.s32 $0x300, s2;
	[dreg:$0x6] =	wrdreg s26  }
0x14: {  	v0 =	vand.u32 $0x7, v2;
	v2 =	vor.u32 $0x8, v2;
	v1 =	vmul.u32 $0x8, v1;
	s0 =	simm.s32 $0x100;
	s26 =	simm.s32 $0x3100;
	s25 =	simm.s32 $0x17900  }
.LBB2_1:
0x15: {  	s20 =	rddreg [dreg:$0x4]  }
0x16: {  	[tilespmem:s3], [sflag:$0x2] =	stream.linear.gather [hbm4b:s20+s3], $0x100, $0x38;
	[tilespmem:$0x18100] =	vst v63  }
0x17: {  	_ =	swait.ge [sflag:s9], $0x100  }
0x18: {  	[sflag:s9] =	ssyncset.done $0x0  }
0x19: {  	[sflag:s9] =	ssyncadd.s32 $0xFFFFFF00  }
0x1a: {  	v3 =	vld [tilespmem:$0x0];
	_ =	sdelay $0x4  }
0x1b: {  	v4 =	vshll.u32 v3, $0x3  }
0x1c: {  	v3 =	vand.u32 $0x7, v3;
	v4 =	vand.u32 $0xFFFFFFC0, v4  }
0x1d: {  	v3 =	vor.u32 v3, v4  }
0x1e: {  	v4 =	vperm.xlane v3, v0;
	_ =	sdelay $0x1  }
0x1f: {  	v4 =	vadd.s32 v1, v4;
	_ =	sdelay $0x4  }
0x20: {  	[tilespmem:s0], [sflag:$0x1] =	stream.indirect_vreg.gather [hbm4b:s2+s3], $0x80, v4, vm0, $0xb8;
	[tilespmem:$0x18100] =	vst v63  }
0x21: {  	s1 =	simm.s32 $0x900;
	v3 =	vperm.xlane v3, v2  }
0x22: {  	[tilespmem:s1], [sflag:$0x1] =	stream.indirect_vreg.gather [hbm4b:s5+s3], $0x80, v4, vm0, $0xb8;
	[tilespmem:$0x18100] =	vst v63  }
0x23: {  	s20 =	simm.s32 $0x1100;
	v3 =	vadd.s32 v1, v3  }
0x24: {  	[tilespmem:s20], [sflag:$0x1] =	stream.indirect_vreg.gather [hbm4b:s6+s3], $0x80, v4, vm0, $0xb8;
	[tilespmem:$0x18100] =	vst v63  }
0x25: {  	s20 =	simm.s32 $0x1900  }
0x26: {  	[tilespmem:s20], [sflag:$0x1] =	stream.indirect_vreg.gather [hbm4b:s7+s3], $0x80, v4, vm0, $0xb8;
	[tilespmem:$0x18100] =	vst v63  }
0x27: {  	s20 =	simm.s32 $0x2100  }
0x28: {  	[tilespmem:s20], [sflag:$0x1] =	stream.indirect_vreg.gather [hbm4b:s2+s3], $0x80, v3, vm0, $0xb8;
	[tilespmem:$0x18100] =	vst v63  }
0x29: {  	s20 =	simm.s32 $0x2900  }
0x2a: {  	[tilespmem:s20], [sflag:$0x1] =	stream.indirect_vreg.gather [hbm4b:s5+s3], $0x80, v3, vm0, $0xb8;
	[tilespmem:$0x18100] =	vst v63  }
0x2b: {  	_ = 	snop  }
0x2c: {  	[tilespmem:s26], [sflag:$0x1] =	stream.indirect_vreg.gather [hbm4b:s6+s3], $0x80, v3, vm0, $0xb8;
	[tilespmem:$0x18100] =	vst v63  }
0x2d: {  	_ = 	snop  }
0x2e: {  	[tilespmem:s28], [sflag:$0x1] =	stream.indirect_vreg.gather [hbm4b:s7+s3], $0x80, v3, vm0, $0xb8;
	[tilespmem:$0x18100] =	vst v63  }
0x2f: {  	v3 =	vld [tilespmem:$0x10];
	_ =	sdelay $0x4  }
0x30: {  	v49 =	vshll.u32 v3, $0x3  }
0x31: {  	v3 =	vand.u32 $0x7, v3;
	v4 =	vand.u32 $0xFFFFFFC0, v49  }
0x32: {  	v3 =	vor.u32 v3, v4  }
0x33: {  	v4 =	vperm.xlane v3, v0;
	_ =	sdelay $0x1  }
0x34: {  	v4 =	vadd.s32 v1, v4;
	_ =	sdelay $0x4  }
0x35: {  	[tilespmem:s29], [sflag:$0x1] =	stream.indirect_vreg.gather [hbm4b:s2+s3], $0x80, v4, vm0, $0xb8;
	[tilespmem:$0x18100] =	vst v63  }
0x36: {  	v3 =	vperm.xlane v3, v2  }
0x37: {  	[tilespmem:s30], [sflag:$0x1] =	stream.indirect_vreg.gather [hbm4b:s5+s3], $0x80, v4, vm0, $0xb8;
	[tilespmem:$0x18100] =	vst v63  }
0x38: {  	v3 =	vadd.s32 v1, v3  }
0x39: {  	[tilespmem:s31], [sflag:$0x1] =	stream.indirect_vreg.gather [hbm4b:s6+s3], $0x80, v4, vm0, $0xb8;
	[tilespmem:$0x18100] =	vst v63  }
0x3a: {  	s20 =	simm.s32 $0x5900  }
0x3b: {  	[tilespmem:s20], [sflag:$0x1] =	stream.indirect_vreg.gather [hbm4b:s7+s3], $0x80, v4, vm0, $0xb8;
	[tilespmem:$0x18100] =	vst v63  }
0x3c: {  	s20 =	simm.s32 $0x6100  }
0x3d: {  	[tilespmem:s20], [sflag:$0x1] =	stream.indirect_vreg.gather [hbm4b:s2+s3], $0x80, v3, vm0, $0xb8;
	[tilespmem:$0x18100] =	vst v63  }
0x3e: {  	s20 =	simm.s32 $0x6900  }
0x3f: {  	[tilespmem:s20], [sflag:$0x1] =	stream.indirect_vreg.gather [hbm4b:s5+s3], $0x80, v3, vm0, $0xb8;
	[tilespmem:$0x18100] =	vst v63  }
0x40: {  	s20 =	simm.s32 $0x7100  }
0x41: {  	[tilespmem:s20], [sflag:$0x1] =	stream.indirect_vreg.gather [hbm4b:s6+s3], $0x80, v3, vm0, $0xb8;
	[tilespmem:$0x18100] =	vst v63  }
0x42: {  	s20 =	simm.s32 $0x7900  }
0x43: {  	[tilespmem:s20], [sflag:$0x1] =	stream.indirect_vreg.gather [hbm4b:s7+s3], $0x80, v3, vm0, $0xb8;
	[tilespmem:$0x18100] =	vst v63  }
0x44: {  	v3 =	vld [tilespmem:$0x20];
	_ =	sdelay $0x4  }
0x45: {  	v50 =	vshll.u32 v3, $0x3  }
0x46: {  	v3 =	vand.u32 $0x7, v3;
	v4 =	vand.u32 $0xFFFFFFC0, v50  }
0x47: {  	v3 =	vor.u32 v3, v4  }
0x48: {  	v4 =	vperm.xlane v3, v0;
	_ =	sdelay $0x1  }
0x49: {  	v4 =	vadd.s32 v1, v4;
	_ =	sdelay $0x3  }
0x4a: {  	s20 =	simm.s32 $0x8100  }
0x4b: {  	[tilespmem:s20], [sflag:$0x1] =	stream.indirect_vreg.gather [hbm4b:s2+s3], $0x80, v4, vm0, $0xb8;
	[tilespmem:$0x18100] =	vst v63  }
0x4c: {  	v3 =	vperm.xlane v3, v2;
	s20 =	simm.s32 $0x8900  }
0x4d: {  	[tilespmem:s20], [sflag:$0x1] =	stream.indirect_vreg.gather [hbm4b:s5+s3], $0x80, v4, vm0, $0xb8;
	[tilespmem:$0x18100] =	vst v63  }
0x4e: {  	v3 =	vadd.s32 v1, v3;
	s20 =	simm.s32 $0x9100  }
0x4f: {  	[tilespmem:s20], [sflag:$0x1] =	stream.indirect_vreg.gather [hbm4b:s6+s3], $0x80, v4, vm0, $0xb8;
	[tilespmem:$0x18100] =	vst v63  }
0x50: {  	s20 =	simm.s32 $0x9900  }
0x51: {  	[tilespmem:s20], [sflag:$0x1] =	stream.indirect_vreg.gather [hbm4b:s7+s3], $0x80, v4, vm0, $0xb8;
	[tilespmem:$0x18100] =	vst v63  }
0x52: {  	s20 =	simm.s32 $0xA100  }
0x53: {  	[tilespmem:s20], [sflag:$0x1] =	stream.indirect_vreg.gather [hbm4b:s2+s3], $0x80, v3, vm0, $0xb8;
	[tilespmem:$0x18100] =	vst v63  }
0x54: {  	s20 =	simm.s32 $0xA900  }
0x55: {  	[tilespmem:s20], [sflag:$0x1] =	stream.indirect_vreg.gather [hbm4b:s5+s3], $0x80, v3, vm0, $0xb8;
	[tilespmem:$0x18100] =	vst v63  }
0x56: {  	s20 =	simm.s32 $0xB100  }
0x57: {  	[tilespmem:s20], [sflag:$0x1] =	stream.indirect_vreg.gather [hbm4b:s6+s3], $0x80, v3, vm0, $0xb8;
	[tilespmem:$0x18100] =	vst v63  }
0x58: {  	s20 =	simm.s32 $0xB900  }
0x59: {  	[tilespmem:s20], [sflag:$0x1] =	stream.indirect_vreg.gather [hbm4b:s7+s3], $0x80, v3, vm0, $0xb8;
	[tilespmem:$0x18100] =	vst v63  }
0x5a: {  	v3 =	vld [tilespmem:$0x30];
	_ =	sdelay $0x4  }
0x5b: {  	v51 =	vshll.u32 v3, $0x3  }
0x5c: {  	v3 =	vand.u32 $0x7, v3;
	v4 =	vand.u32 $0xFFFFFFC0, v51  }
0x5d: {  	v3 =	vor.u32 v3, v4  }
0x5e: {  	v4 =	vperm.xlane v3, v0;
	_ =	sdelay $0x1  }
0x5f: {  	v4 =	vadd.s32 v1, v4;
	_ =	sdelay $0x3  }
0x60: {  	s20 =	simm.s32 $0xC100  }
0x61: {  	[tilespmem:s20], [sflag:$0x1] =	stream.indirect_vreg.gather [hbm4b:s2+s3], $0x80, v4, vm0, $0xb8;
	[tilespmem:$0x18100] =	vst v63  }
0x62: {  	v3 =	vperm.xlane v3, v2;
	s20 =	simm.s32 $0xC900  }
0x63: {  	[tilespmem:s20], [sflag:$0x1] =	stream.indirect_vreg.gather [hbm4b:s5+s3], $0x80, v4, vm0, $0xb8;
	[tilespmem:$0x18100] =	vst v63  }
0x64: {  	v3 =	vadd.s32 v1, v3;
	s20 =	simm.s32 $0xD100  }
0x65: {  	[tilespmem:s20], [sflag:$0x1] =	stream.indirect_vreg.gather [hbm4b:s6+s3], $0x80, v4, vm0, $0xb8;
	[tilespmem:$0x18100] =	vst v63  }
0x66: {  	s20 =	simm.s32 $0xD900  }
0x67: {  	[tilespmem:s20], [sflag:$0x1] =	stream.indirect_vreg.gather [hbm4b:s7+s3], $0x80, v4, vm0, $0xb8;
	[tilespmem:$0x18100] =	vst v63  }
0x68: {  	s20 =	simm.s32 $0xE100  }
0x69: {  	[tilespmem:s20], [sflag:$0x1] =	stream.indirect_vreg.gather [hbm4b:s2+s3], $0x80, v3, vm0, $0xb8;
	[tilespmem:$0x18100] =	vst v63  }
0x6a: {  	s20 =	simm.s32 $0xE900  }
0x6b: {  	[tilespmem:s20], [sflag:$0x1] =	stream.indirect_vreg.gather [hbm4b:s5+s3], $0x80, v3, vm0, $0xb8;
	[tilespmem:$0x18100] =	vst v63  }
0x6c: {  	s20 =	simm.s32 $0xF100  }
0x6d: {  	[tilespmem:s20], [sflag:$0x1] =	stream.indirect_vreg.gather [hbm4b:s6+s3], $0x80, v3, vm0, $0xb8;
	[tilespmem:$0x18100] =	vst v63  }
0x6e: {  	s20 =	simm.s32 $0xF900  }
0x6f: {  	[tilespmem:s20], [sflag:$0x1] =	stream.indirect_vreg.gather [hbm4b:s7+s3], $0x80, v3, vm0, $0xb8;
	[tilespmem:$0x18100] =	vst v63  }
0x70: {  	v3 =	vld [tilespmem:$0x40];
	_ =	sdelay $0x4  }
0x71: {  	v52 =	vshll.u32 v3, $0x3  }
0x72: {  	v3 =	vand.u32 $0x7, v3;
	v4 =	vand.u32 $0xFFFFFFC0, v52  }
0x73: {  	v3 =	vor.u32 v3, v4  }
0x74: {  	v4 =	vperm.xlane v3, v0;
	_ =	sdelay $0x1  }
0x75: {  	v4 =	vadd.s32 v1, v4;
	_ =	sdelay $0x3  }
0x76: {  	s1 =	simm.s32 $0x10100  }
0x77: {  	[tilespmem:s1], [sflag:$0x1] =	stream.indirect_vreg.gather [hbm4b:s2+s3], $0x80, v4, vm0, $0xb8;
	[tilespmem:$0x18100] =	vst v63  }
0x78: {  	v3 =	vperm.xlane v3, v2  }
0x79: {  	[tilespmem:s4], [sflag:$0x1] =	stream.indirect_vreg.gather [hbm4b:s5+s3], $0x80, v4, vm0, $0xb8;
	[tilespmem:$0x18100] =	vst v63  }
0x7a: {  	v3 =	vadd.s32 v1, v3  }
0x7b: {  	[tilespmem:s10], [sflag:$0x1] =	stream.indirect_vreg.gather [hbm4b:s6+s3], $0x80, v4, vm0, $0xb8;
	[tilespmem:$0x18100] =	vst v63  }
0x7c: {  	_ = 	snop  }
0x7d: {  	[tilespmem:s11], [sflag:$0x1] =	stream.indirect_vreg.gather [hbm4b:s7+s3], $0x80, v4, vm0, $0xb8;
	[tilespmem:$0x18100] =	vst v63  }
0x7e: {  	_ = 	snop  }
0x7f: {  	[tilespmem:s12], [sflag:$0x1] =	stream.indirect_vreg.gather [hbm4b:s2+s3], $0x80, v3, vm0, $0xb8;
	[tilespmem:$0x18100] =	vst v63  }
0x80: {  	_ = 	snop  }
0x81: {  	[tilespmem:s13], [sflag:$0x1] =	stream.indirect_vreg.gather [hbm4b:s5+s3], $0x80, v3, vm0, $0xb8;
	[tilespmem:$0x18100] =	vst v63  }
0x82: {  	_ = 	snop  }
0x83: {  	[tilespmem:s14], [sflag:$0x1] =	stream.indirect_vreg.gather [hbm4b:s6+s3], $0x80, v3, vm0, $0xb8;
	[tilespmem:$0x18100] =	vst v63  }
0x84: {  	_ = 	snop  }
0x85: {  	[tilespmem:s15], [sflag:$0x1] =	stream.indirect_vreg.gather [hbm4b:s7+s3], $0x80, v3, vm0, $0xb8;
	[tilespmem:$0x18100] =	vst v63  }
0x86: {  	v3 =	vld [tilespmem:$0x50];
	_ =	sdelay $0x4  }
0x87: {  	v53 =	vshll.u32 v3, $0x3  }
0x88: {  	v3 =	vand.u32 $0x7, v3;
	v4 =	vand.u32 $0xFFFFFFC0, v53  }
0x89: {  	v3 =	vor.u32 v3, v4  }
0x8a: {  	v4 =	vperm.xlane v3, v0;
	_ =	sdelay $0x1  }
0x8b: {  	v4 =	vadd.s32 v1, v4;
	_ =	sdelay $0x4  }
0x8c: {  	[tilespmem:s16], [sflag:$0x1] =	stream.indirect_vreg.gather [hbm4b:s2+s3], $0x80, v4, vm0, $0xb8;
	[tilespmem:$0x18100] =	vst v63  }
0x8d: {  	v3 =	vperm.xlane v3, v2  }
0x8e: {  	[tilespmem:s17], [sflag:$0x1] =	stream.indirect_vreg.gather [hbm4b:s5+s3], $0x80, v4, vm0, $0xb8;
	[tilespmem:$0x18100] =	vst v63  }
0x8f: {  	v3 =	vadd.s32 v1, v3  }
0x90: {  	[tilespmem:s18], [sflag:$0x1] =	stream.indirect_vreg.gather [hbm4b:s6+s3], $0x80, v4, vm0, $0xb8;
	[tilespmem:$0x18100] =	vst v63  }
0x91: {  	_ = 	snop  }
0x92: {  	[tilespmem:s21], [sflag:$0x1] =	stream.indirect_vreg.gather [hbm4b:s7+s3], $0x80, v4, vm0, $0xb8;
	[tilespmem:$0x18100] =	vst v63  }
0x93: {  	_ = 	snop  }
0x94: {  	[tilespmem:s22], [sflag:$0x1] =	stream.indirect_vreg.gather [hbm4b:s2+s3], $0x80, v3, vm0, $0xb8;
	[tilespmem:$0x18100] =	vst v63  }
0x95: {  	_ = 	snop  }
0x96: {  	[tilespmem:s23], [sflag:$0x1] =	stream.indirect_vreg.gather [hbm4b:s5+s3], $0x80, v3, vm0, $0xb8;
	[tilespmem:$0x18100] =	vst v63  }
0x97: {  	_ = 	snop  }
0x98: {  	[tilespmem:s24], [sflag:$0x1] =	stream.indirect_vreg.gather [hbm4b:s6+s3], $0x80, v3, vm0, $0xb8;
	[tilespmem:$0x18100] =	vst v63  }
0x99: {  	_ = 	snop  }
0x9a: {  	[tilespmem:s25], [sflag:$0x1] =	stream.indirect_vreg.gather [hbm4b:s7+s3], $0x80, v3, vm0, $0xb8;
	[tilespmem:$0x18100] =	vst v63  }
0x9b: {  	_ =	swait.ge [sflag:s19], $0x18000  }
0x9c: {  	[sflag:s19] =	ssyncset.done $0x0  }
0x9d: {  	s20 =	rddreg [dreg:$0x7];
	[sflag:s19] =	ssyncadd.s32 $0xFFFE8000  }
0x9e: {  	[hbm4b:s20+s3] =	stream.linear.scatter [tilespmem:s0], [sflag:$0x2], $0x18000, $0x38;
	[tilespmem:$0x18100] =	vst v63  }
0x9f: {  	_ =	swait.ge [sflag:s9], $0x18000  }
0xa0: {  	[sflag:s9] =	ssyncset.done $0x0  }
0xa1: {  	[sflag:s9] =	ssyncadd.s32 $0xFFFE8000  }
0xa2: {  	v3 =	vld [tilespmem:$0x60];
	_ =	sdelay $0x4  }
0xa3: {  	v54 =	vshll.u32 v3, $0x3  }
0xa4: {  	v3 =	vand.u32 $0x7, v3;
	v4 =	vand.u32 $0xFFFFFFC0, v54  }
0xa5: {  	v3 =	vor.u32 v3, v4  }
0xa6: {  	v4 =	vperm.xlane v3, v0;
	_ =	sdelay $0x1  }
0xa7: {  	v4 =	vadd.s32 v1, v4;
	_ =	sdelay $0x4  }
0xa8: {  	[tilespmem:s0], [sflag:$0x1] =	stream.indirect_vreg.gather [hbm4b:s2+s3], $0x80, v4, vm0, $0xb8;
	[tilespmem:$0x18100] =	vst v63  }
0xa9: {  	s20 =	simm.s32 $0x900;
	v3 =	vperm.xlane v3, v2  }
0xaa: {  	[tilespmem:s20], [sflag:$0x1] =	stream.indirect_vreg.gather [hbm4b:s5+s3], $0x80, v4, vm0, $0xb8;
	[tilespmem:$0x18100] =	vst v63  }
0xab: {  	v3 =	vadd.s32 v1, v3;
	s20 =	simm.s32 $0x1100  }
0xac: {  	[tilespmem:s20], [sflag:$0x1] =	stream.indirect_vreg.gather [hbm4b:s6+s3], $0x80, v4, vm0, $0xb8;
	[tilespmem:$0x18100] =	vst v63  }
0xad: {  	s20 =	simm.s32 $0x1900  }
0xae: {  	[tilespmem:s20], [sflag:$0x1] =	stream.indirect_vreg.gather [hbm4b:s7+s3], $0x80, v4, vm0, $0xb8;
	[tilespmem:$0x18100] =	vst v63  }
0xaf: {  	s20 =	simm.s32 $0x2100  }
0xb0: {  	[tilespmem:s20], [sflag:$0x1] =	stream.indirect_vreg.gather [hbm4b:s2+s3], $0x80, v3, vm0, $0xb8;
	[tilespmem:$0x18100] =	vst v63  }
0xb1: {  	s20 =	simm.s32 $0x2900  }
0xb2: {  	[tilespmem:s20], [sflag:$0x1] =	stream.indirect_vreg.gather [hbm4b:s5+s3], $0x80, v3, vm0, $0xb8;
	[tilespmem:$0x18100] =	vst v63  }
0xb3: {  	_ = 	snop  }
0xb4: {  	[tilespmem:s26], [sflag:$0x1] =	stream.indirect_vreg.gather [hbm4b:s6+s3], $0x80, v3, vm0, $0xb8;
	[tilespmem:$0x18100] =	vst v63  }
0xb5: {  	_ = 	snop  }
0xb6: {  	[tilespmem:s28], [sflag:$0x1] =	stream.indirect_vreg.gather [hbm4b:s7+s3], $0x80, v3, vm0, $0xb8;
	[tilespmem:$0x18100] =	vst v63  }
0xb7: {  	v3 =	vld [tilespmem:$0x70];
	_ =	sdelay $0x4  }
0xb8: {  	v55 =	vshll.u32 v3, $0x3  }
0xb9: {  	v3 =	vand.u32 $0x7, v3;
	v4 =	vand.u32 $0xFFFFFFC0, v55  }
0xba: {  	v3 =	vor.u32 v3, v4  }
0xbb: {  	v4 =	vperm.xlane v3, v0;
	_ =	sdelay $0x1  }
0xbc: {  	v4 =	vadd.s32 v1, v4;
	_ =	sdelay $0x4  }
0xbd: {  	[tilespmem:s29], [sflag:$0x1] =	stream.indirect_vreg.gather [hbm4b:s2+s3], $0x80, v4, vm0, $0xb8;
	[tilespmem:$0x18100] =	vst v63  }
0xbe: {  	v3 =	vperm.xlane v3, v2  }
0xbf: {  	[tilespmem:s30], [sflag:$0x1] =	stream.indirect_vreg.gather [hbm4b:s5+s3], $0x80, v4, vm0, $0xb8;
	[tilespmem:$0x18100] =	vst v63  }
0xc0: {  	v3 =	vadd.s32 v1, v3  }
0xc1: {  	[tilespmem:s31], [sflag:$0x1] =	stream.indirect_vreg.gather [hbm4b:s6+s3], $0x80, v4, vm0, $0xb8;
	[tilespmem:$0x18100] =	vst v63  }
0xc2: {  	s20 =	simm.s32 $0x5900  }
0xc3: {  	[tilespmem:s20], [sflag:$0x1] =	stream.indirect_vreg.gather [hbm4b:s7+s3], $0x80, v4, vm0, $0xb8;
	[tilespmem:$0x18100] =	vst v63  }
0xc4: {  	s20 =	simm.s32 $0x6100  }
0xc5: {  	[tilespmem:s20], [sflag:$0x1] =	stream.indirect_vreg.gather [hbm4b:s2+s3], $0x80, v3, vm0, $0xb8;
	[tilespmem:$0x18100] =	vst v63  }
0xc6: {  	s20 =	simm.s32 $0x6900  }
0xc7: {  	[tilespmem:s20], [sflag:$0x1] =	stream.indirect_vreg.gather [hbm4b:s5+s3], $0x80, v3, vm0, $0xb8;
	[tilespmem:$0x18100] =	vst v63  }
0xc8: {  	s20 =	simm.s32 $0x7100  }
0xc9: {  	[tilespmem:s20], [sflag:$0x1] =	stream.indirect_vreg.gather [hbm4b:s6+s3], $0x80, v3, vm0, $0xb8;
	[tilespmem:$0x18100] =	vst v63  }
0xca: {  	s20 =	simm.s32 $0x7900  }
0xcb: {  	[tilespmem:s20], [sflag:$0x1] =	stream.indirect_vreg.gather [hbm4b:s7+s3], $0x80, v3, vm0, $0xb8;
	[tilespmem:$0x18100] =	vst v63  }
0xcc: {  	v3 =	vld [tilespmem:$0x80];
	_ =	sdelay $0x4  }
0xcd: {  	v56 =	vshll.u32 v3, $0x3  }
0xce: {  	v3 =	vand.u32 $0x7, v3;
	v4 =	vand.u32 $0xFFFFFFC0, v56  }
0xcf: {  	v3 =	vor.u32 v3, v4  }
0xd0: {  	v4 =	vperm.xlane v3, v0;
	_ =	sdelay $0x1  }
0xd1: {  	v4 =	vadd.s32 v1, v4;
	_ =	sdelay $0x3  }
0xd2: {  	s20 =	simm.s32 $0x8100  }
0xd3: {  	[tilespmem:s20], [sflag:$0x1] =	stream.indirect_vreg.gather [hbm4b:s2+s3], $0x80, v4, vm0, $0xb8;
	[tilespmem:$0x18100] =	vst v63  }
0xd4: {  	v3 =	vperm.xlane v3, v2;
	s20 =	simm.s32 $0x8900  }
0xd5: {  	[tilespmem:s20], [sflag:$0x1] =	stream.indirect_vreg.gather [hbm4b:s5+s3], $0x80, v4, vm0, $0xb8;
	[tilespmem:$0x18100] =	vst v63  }
0xd6: {  	v3 =	vadd.s32 v1, v3;
	s20 =	simm.s32 $0x9100  }
0xd7: {  	[tilespmem:s20], [sflag:$0x1] =	stream.indirect_vreg.gather [hbm4b:s6+s3], $0x80, v4, vm0, $0xb8;
	[tilespmem:$0x18100] =	vst v63  }
0xd8: {  	s20 =	simm.s32 $0x9900  }
0xd9: {  	[tilespmem:s20], [sflag:$0x1] =	stream.indirect_vreg.gather [hbm4b:s7+s3], $0x80, v4, vm0, $0xb8;
	[tilespmem:$0x18100] =	vst v63  }
0xda: {  	s20 =	simm.s32 $0xA100  }
0xdb: {  	[tilespmem:s20], [sflag:$0x1] =	stream.indirect_vreg.gather [hbm4b:s2+s3], $0x80, v3, vm0, $0xb8;
	[tilespmem:$0x18100] =	vst v63  }
0xdc: {  	s20 =	simm.s32 $0xA900  }
0xdd: {  	[tilespmem:s20], [sflag:$0x1] =	stream.indirect_vreg.gather [hbm4b:s5+s3], $0x80, v3, vm0, $0xb8;
	[tilespmem:$0x18100] =	vst v63  }
0xde: {  	s20 =	simm.s32 $0xB100  }
0xdf: {  	[tilespmem:s20], [sflag:$0x1] =	stream.indirect_vreg.gather [hbm4b:s6+s3], $0x80, v3, vm0, $0xb8;
	[tilespmem:$0x18100] =	vst v63  }
0xe0: {  	s20 =	simm.s32 $0xB900  }
0xe1: {  	[tilespmem:s20], [sflag:$0x1] =	stream.indirect_vreg.gather [hbm4b:s7+s3], $0x80, v3, vm0, $0xb8;
	[tilespmem:$0x18100] =	vst v63  }
0xe2: {  	v3 =	vld [tilespmem:$0x90];
	_ =	sdelay $0x4  }
0xe3: {  	v57 =	vshll.u32 v3, $0x3  }
0xe4: {  	v3 =	vand.u32 $0x7, v3;
	v4 =	vand.u32 $0xFFFFFFC0, v57  }
0xe5: {  	v3 =	vor.u32 v3, v4  }
0xe6: {  	v4 =	vperm.xlane v3, v0;
	_ =	sdelay $0x1  }
0xe7: {  	v4 =	vadd.s32 v1, v4;
	_ =	sdelay $0x3  }
0xe8: {  	s20 =	simm.s32 $0xC100  }
0xe9: {  	[tilespmem:s20], [sflag:$0x1] =	stream.indirect_vreg.gather [hbm4b:s2+s3], $0x80, v4, vm0, $0xb8;
	[tilespmem:$0x18100] =	vst v63  }
0xea: {  	v3 =	vperm.xlane v3, v2;
	s20 =	simm.s32 $0xC900  }
0xeb: {  	[tilespmem:s20], [sflag:$0x1] =	stream.indirect_vreg.gather [hbm4b:s5+s3], $0x80, v4, vm0, $0xb8;
	[tilespmem:$0x18100] =	vst v63  }
0xec: {  	v3 =	vadd.s32 v1, v3;
	s20 =	simm.s32 $0xD100  }
0xed: {  	[tilespmem:s20], [sflag:$0x1] =	stream.indirect_vreg.gather [hbm4b:s6+s3], $0x80, v4, vm0, $0xb8;
	[tilespmem:$0x18100] =	vst v63  }
0xee: {  	s20 =	simm.s32 $0xD900  }
0xef: {  	[tilespmem:s20], [sflag:$0x1] =	stream.indirect_vreg.gather [hbm4b:s7+s3], $0x80, v4, vm0, $0xb8;
	[tilespmem:$0x18100] =	vst v63  }
0xf0: {  	s20 =	simm.s32 $0xE100  }
0xf1: {  	[tilespmem:s20], [sflag:$0x1] =	stream.indirect_vreg.gather [hbm4b:s2+s3], $0x80, v3, vm0, $0xb8;
	[tilespmem:$0x18100] =	vst v63  }
0xf2: {  	s20 =	simm.s32 $0xE900  }
0xf3: {  	[tilespmem:s20], [sflag:$0x1] =	stream.indirect_vreg.gather [hbm4b:s5+s3], $0x80, v3, vm0, $0xb8;
	[tilespmem:$0x18100] =	vst v63  }
0xf4: {  	s20 =	simm.s32 $0xF100  }
0xf5: {  	[tilespmem:s20], [sflag:$0x1] =	stream.indirect_vreg.gather [hbm4b:s6+s3], $0x80, v3, vm0, $0xb8;
	[tilespmem:$0x18100] =	vst v63  }
0xf6: {  	s20 =	simm.s32 $0xF900  }
0xf7: {  	[tilespmem:s20], [sflag:$0x1] =	stream.indirect_vreg.gather [hbm4b:s7+s3], $0x80, v3, vm0, $0xb8;
	[tilespmem:$0x18100] =	vst v63  }
0xf8: {  	v3 =	vld [tilespmem:$0xA0];
	_ =	sdelay $0x4  }
0xf9: {  	v58 =	vshll.u32 v3, $0x3  }
0xfa: {  	v3 =	vand.u32 $0x7, v3;
	v4 =	vand.u32 $0xFFFFFFC0, v58  }
0xfb: {  	v3 =	vor.u32 v3, v4  }
0xfc: {  	v4 =	vperm.xlane v3, v0;
	_ =	sdelay $0x1  }
0xfd: {  	v4 =	vadd.s32 v1, v4;
	_ =	sdelay $0x4  }
0xfe: {  	[tilespmem:s1], [sflag:$0x1] =	stream.indirect_vreg.gather [hbm4b:s2+s3], $0x80, v4, vm0, $0xb8;
	[tilespmem:$0x18100] =	vst v63  }
0xff: {  	v3 =	vperm.xlane v3, v2  }
0x100: {  	[tilespmem:s4], [sflag:$0x1] =	stream.indirect_vreg.gather [hbm4b:s5+s3], $0x80, v4, vm0, $0xb8;
	[tilespmem:$0x18100] =	vst v63  }
0x101: {  	v3 =	vadd.s32 v1, v3  }
0x102: {  	[tilespmem:s10], [sflag:$0x1] =	stream.indirect_vreg.gather [hbm4b:s6+s3], $0x80, v4, vm0, $0xb8;
	[tilespmem:$0x18100] =	vst v63  }
0x103: {  	_ = 	snop  }
0x104: {  	[tilespmem:s11], [sflag:$0x1] =	stream.indirect_vreg.gather [hbm4b:s7+s3], $0x80, v4, vm0, $0xb8;
	[tilespmem:$0x18100] =	vst v63  }
0x105: {  	_ = 	snop  }
0x106: {  	[tilespmem:s12], [sflag:$0x1] =	stream.indirect_vreg.gather [hbm4b:s2+s3], $0x80, v3, vm0, $0xb8;
	[tilespmem:$0x18100] =	vst v63  }
0x107: {  	_ = 	snop  }
0x108: {  	[tilespmem:s13], [sflag:$0x1] =	stream.indirect_vreg.gather [hbm4b:s5+s3], $0x80, v3, vm0, $0xb8;
	[tilespmem:$0x18100] =	vst v63  }
0x109: {  	_ = 	snop  }
0x10a: {  	[tilespmem:s14], [sflag:$0x1] =	stream.indirect_vreg.gather [hbm4b:s6+s3], $0x80, v3, vm0, $0xb8;
	[tilespmem:$0x18100] =	vst v63  }
0x10b: {  	_ = 	snop  }
0x10c: {  	[tilespmem:s15], [sflag:$0x1] =	stream.indirect_vreg.gather [hbm4b:s7+s3], $0x80, v3, vm0, $0xb8;
	[tilespmem:$0x18100] =	vst v63  }
0x10d: {  	v3 =	vld [tilespmem:$0xB0];
	_ =	sdelay $0x4  }
0x10e: {  	v59 =	vshll.u32 v3, $0x3  }
0x10f: {  	v3 =	vand.u32 $0x7, v3;
	v4 =	vand.u32 $0xFFFFFFC0, v59  }
0x110: {  	v3 =	vor.u32 v3, v4  }
0x111: {  	v4 =	vperm.xlane v3, v0;
	_ =	sdelay $0x1  }
0x112: {  	v4 =	vadd.s32 v1, v4;
	_ =	sdelay $0x4  }
0x113: {  	[tilespmem:s16], [sflag:$0x1] =	stream.indirect_vreg.gather [hbm4b:s2+s3], $0x80, v4, vm0, $0xb8;
	[tilespmem:$0x18100] =	vst v63  }
0x114: {  	v3 =	vperm.xlane v3, v2  }
0x115: {  	[tilespmem:s17], [sflag:$0x1] =	stream.indirect_vreg.gather [hbm4b:s5+s3], $0x80, v4, vm0, $0xb8;
	[tilespmem:$0x18100] =	vst v63  }
0x116: {  	v3 =	vadd.s32 v1, v3  }
0x117: {  	[tilespmem:s18], [sflag:$0x1] =	stream.indirect_vreg.gather [hbm4b:s6+s3], $0x80, v4, vm0, $0xb8;
	[tilespmem:$0x18100] =	vst v63  }
0x118: {  	_ = 	snop  }
0x119: {  	[tilespmem:s21], [sflag:$0x1] =	stream.indirect_vreg.gather [hbm4b:s7+s3], $0x80, v4, vm0, $0xb8;
	[tilespmem:$0x18100] =	vst v63  }
0x11a: {  	_ = 	snop  }
0x11b: {  	[tilespmem:s22], [sflag:$0x1] =	stream.indirect_vreg.gather [hbm4b:s2+s3], $0x80, v3, vm0, $0xb8;
	[tilespmem:$0x18100] =	vst v63  }
0x11c: {  	_ = 	snop  }
0x11d: {  	[tilespmem:s23], [sflag:$0x1] =	stream.indirect_vreg.gather [hbm4b:s5+s3], $0x80, v3, vm0, $0xb8;
	[tilespmem:$0x18100] =	vst v63  }
0x11e: {  	_ = 	snop  }
0x11f: {  	[tilespmem:s24], [sflag:$0x1] =	stream.indirect_vreg.gather [hbm4b:s6+s3], $0x80, v3, vm0, $0xb8;
	[tilespmem:$0x18100] =	vst v63  }
0x120: {  	_ = 	snop  }
0x121: {  	[tilespmem:s25], [sflag:$0x1] =	stream.indirect_vreg.gather [hbm4b:s7+s3], $0x80, v3, vm0, $0xb8;
	[tilespmem:$0x18100] =	vst v63  }
0x122: {  	_ =	swait.ge [sflag:s19], $0x18000  }
0x123: {  	[sflag:s19] =	ssyncset.done $0x0  }
0x124: {  	s1 =	rddreg [dreg:$0x5];
	[sflag:s19] =	ssyncadd.s32 $0xFFFE8000  }
0x125: {  	[hbm4b:s1+s3] =	stream.linear.scatter [tilespmem:s0], [sflag:$0x2], $0x18000, $0x38;
	[tilespmem:$0x18100] =	vst v63  }
0x126: {  	_ =	swait.ge [sflag:s9], $0x18000  }
0x127: {  	[sflag:s9] =	ssyncset.done $0x0  }
0x128: {  	[sflag:s9] =	ssyncadd.s32 $0xFFFE8000  }
0x129: {  	v3 =	vld [tilespmem:$0xC0];
	_ =	sdelay $0x4  }
0x12a: {  	v60 =	vshll.u32 v3, $0x3  }
0x12b: {  	v3 =	vand.u32 $0x7, v3;
	v4 =	vand.u32 $0xFFFFFFC0, v60  }
0x12c: {  	v3 =	vor.u32 v3, v4  }
0x12d: {  	v4 =	vperm.xlane v3, v0;
	_ =	sdelay $0x1  }
0x12e: {  	v4 =	vadd.s32 v1, v4;
	_ =	sdelay $0x4  }
0x12f: {  	[tilespmem:s0], [sflag:$0x1] =	stream.indirect_vreg.gather [hbm4b:s2+s3], $0x80, v4, vm0, $0xb8;
	[tilespmem:$0x18100] =	vst v63  }
0x130: {  	s20 =	simm.s32 $0x900;
	v3 =	vperm.xlane v3, v2  }
0x131: {  	[tilespmem:s20], [sflag:$0x1] =	stream.indirect_vreg.gather [hbm4b:s5+s3], $0x80, v4, vm0, $0xb8;
	[tilespmem:$0x18100] =	vst v63  }
0x132: {  	v3 =	vadd.s32 v1, v3;
	s20 =	simm.s32 $0x1100  }
0x133: {  	[tilespmem:s20], [sflag:$0x1] =	stream.indirect_vreg.gather [hbm4b:s6+s3], $0x80, v4, vm0, $0xb8;
	[tilespmem:$0x18100] =	vst v63  }
0x134: {  	s20 =	simm.s32 $0x1900  }
0x135: {  	[tilespmem:s20], [sflag:$0x1] =	stream.indirect_vreg.gather [hbm4b:s7+s3], $0x80, v4, vm0, $0xb8;
	[tilespmem:$0x18100] =	vst v63  }
0x136: {  	s20 =	simm.s32 $0x2100  }
0x137: {  	[tilespmem:s20], [sflag:$0x1] =	stream.indirect_vreg.gather [hbm4b:s2+s3], $0x80, v3, vm0, $0xb8;
	[tilespmem:$0x18100] =	vst v63  }
0x138: {  	s20 =	simm.s32 $0x2900  }
0x139: {  	[tilespmem:s20], [sflag:$0x1] =	stream.indirect_vreg.gather [hbm4b:s5+s3], $0x80, v3, vm0, $0xb8;
	[tilespmem:$0x18100] =	vst v63  }
0x13a: {  	_ = 	snop  }
0x13b: {  	[tilespmem:s26], [sflag:$0x1] =	stream.indirect_vreg.gather [hbm4b:s6+s3], $0x80, v3, vm0, $0xb8;
	[tilespmem:$0x18100] =	vst v63  }
0x13c: {  	_ = 	snop  }
0x13d: {  	[tilespmem:s28], [sflag:$0x1] =	stream.indirect_vreg.gather [hbm4b:s7+s3], $0x80, v3, vm0, $0xb8;
	[tilespmem:$0x18100] =	vst v63  }
0x13e: {  	v3 =	vld [tilespmem:$0xD0];
	_ =	sdelay $0x4  }
0x13f: {  	v61 =	vshll.u32 v3, $0x3  }
0x140: {  	v3 =	vand.u32 $0x7, v3;
	v4 =	vand.u32 $0xFFFFFFC0, v61  }
0x141: {  	v3 =	vor.u32 v3, v4  }
0x142: {  	v4 =	vperm.xlane v3, v0;
	_ =	sdelay $0x1  }
0x143: {  	v4 =	vadd.s32 v1, v4;
	_ =	sdelay $0x4  }
0x144: {  	[tilespmem:s29], [sflag:$0x1] =	stream.indirect_vreg.gather [hbm4b:s2+s3], $0x80, v4, vm0, $0xb8;
	[tilespmem:$0x18100] =	vst v63  }
0x145: {  	v3 =	vperm.xlane v3, v2  }
0x146: {  	[tilespmem:s30], [sflag:$0x1] =	stream.indirect_vreg.gather [hbm4b:s5+s3], $0x80, v4, vm0, $0xb8;
	[tilespmem:$0x18100] =	vst v63  }
0x147: {  	v3 =	vadd.s32 v1, v3  }
0x148: {  	[tilespmem:s31], [sflag:$0x1] =	stream.indirect_vreg.gather [hbm4b:s6+s3], $0x80, v4, vm0, $0xb8;
	[tilespmem:$0x18100] =	vst v63  }
0x149: {  	s20 =	simm.s32 $0x5900  }
0x14a: {  	[tilespmem:s20], [sflag:$0x1] =	stream.indirect_vreg.gather [hbm4b:s7+s3], $0x80, v4, vm0, $0xb8;
	[tilespmem:$0x18100] =	vst v63  }
0x14b: {  	s20 =	simm.s32 $0x6100  }
0x14c: {  	[tilespmem:s20], [sflag:$0x1] =	stream.indirect_vreg.gather [hbm4b:s2+s3], $0x80, v3, vm0, $0xb8;
	[tilespmem:$0x18100] =	vst v63  }
0x14d: {  	s20 =	simm.s32 $0x6900  }
0x14e: {  	[tilespmem:s20], [sflag:$0x1] =	stream.indirect_vreg.gather [hbm4b:s5+s3], $0x80, v3, vm0, $0xb8;
	[tilespmem:$0x18100] =	vst v63  }
0x14f: {  	s20 =	simm.s32 $0x7100  }
0x150: {  	[tilespmem:s20], [sflag:$0x1] =	stream.indirect_vreg.gather [hbm4b:s6+s3], $0x80, v3, vm0, $0xb8;
	[tilespmem:$0x18100] =	vst v63  }
0x151: {  	s20 =	simm.s32 $0x7900  }
0x152: {  	[tilespmem:s20], [sflag:$0x1] =	stream.indirect_vreg.gather [hbm4b:s7+s3], $0x80, v3, vm0, $0xb8;
	[tilespmem:$0x18100] =	vst v63  }
0x153: {  	v3 =	vld [tilespmem:$0xE0];
	_ =	sdelay $0x4  }
0x154: {  	v62 =	vshll.u32 v3, $0x3  }
0x155: {  	v3 =	vand.u32 $0x7, v3;
	v4 =	vand.u32 $0xFFFFFFC0, v62  }
0x156: {  	v3 =	vor.u32 v3, v4  }
0x157: {  	v4 =	vperm.xlane v3, v0;
	_ =	sdelay $0x1  }
0x158: {  	v4 =	vadd.s32 v1, v4;
	_ =	sdelay $0x3  }
0x159: {  	s20 =	simm.s32 $0x8100  }
0x15a: {  	[tilespmem:s20], [sflag:$0x1] =	stream.indirect_vreg.gather [hbm4b:s2+s3], $0x80, v4, vm0, $0xb8;
	[tilespmem:$0x18100] =	vst v63  }
0x15b: {  	v3 =	vperm.xlane v3, v2;
	s20 =	simm.s32 $0x8900  }
0x15c: {  	[tilespmem:s20], [sflag:$0x1] =	stream.indirect_vreg.gather [hbm4b:s5+s3], $0x80, v4, vm0, $0xb8;
	[tilespmem:$0x18100] =	vst v63  }
0x15d: {  	v3 =	vadd.s32 v1, v3;
	s20 =	simm.s32 $0x9100  }
0x15e: {  	[tilespmem:s20], [sflag:$0x1] =	stream.indirect_vreg.gather [hbm4b:s6+s3], $0x80, v4, vm0, $0xb8;
	[tilespmem:$0x18100] =	vst v63  }
0x15f: {  	s20 =	simm.s32 $0x9900  }
0x160: {  	[tilespmem:s20], [sflag:$0x1] =	stream.indirect_vreg.gather [hbm4b:s7+s3], $0x80, v4, vm0, $0xb8;
	[tilespmem:$0x18100] =	vst v63  }
0x161: {  	s20 =	simm.s32 $0xA100  }
0x162: {  	[tilespmem:s20], [sflag:$0x1] =	stream.indirect_vreg.gather [hbm4b:s2+s3], $0x80, v3, vm0, $0xb8;
	[tilespmem:$0x18100] =	vst v63  }
0x163: {  	s20 =	simm.s32 $0xA900  }
0x164: {  	[tilespmem:s20], [sflag:$0x1] =	stream.indirect_vreg.gather [hbm4b:s5+s3], $0x80, v3, vm0, $0xb8;
	[tilespmem:$0x18100] =	vst v63  }
0x165: {  	s20 =	simm.s32 $0xB100  }
0x166: {  	[tilespmem:s20], [sflag:$0x1] =	stream.indirect_vreg.gather [hbm4b:s6+s3], $0x80, v3, vm0, $0xb8;
	[tilespmem:$0x18100] =	vst v63  }
0x167: {  	s20 =	simm.s32 $0xB900  }
0x168: {  	[tilespmem:s20], [sflag:$0x1] =	stream.indirect_vreg.gather [hbm4b:s7+s3], $0x80, v3, vm0, $0xb8;
	[tilespmem:$0x18100] =	vst v63  }
0x169: {  	v3 =	vld [tilespmem:$0xF0];
	_ =	sdelay $0x4  }
0x16a: {  	v63 =	vshll.u32 v3, $0x3  }
0x16b: {  	v3 =	vand.u32 $0x7, v3;
	v4 =	vand.u32 $0xFFFFFFC0, v63  }
0x16c: {  	v3 =	vor.u32 v3, v4  }
0x16d: {  	v4 =	vperm.xlane v3, v0;
	_ =	sdelay $0x1  }
0x16e: {  	v4 =	vadd.s32 v1, v4;
	_ =	sdelay $0x3  }
0x16f: {  	s20 =	simm.s32 $0xC100  }
0x170: {  	[tilespmem:s20], [sflag:$0x1] =	stream.indirect_vreg.gather [hbm4b:s2+s3], $0x80, v4, vm0, $0xb8;
	[tilespmem:$0x18100] =	vst v63  }
0x171: {  	v3 =	vperm.xlane v3, v2;
	s20 =	simm.s32 $0xC900  }
0x172: {  	[tilespmem:s20], [sflag:$0x1] =	stream.indirect_vreg.gather [hbm4b:s5+s3], $0x80, v4, vm0, $0xb8;
	[tilespmem:$0x18100] =	vst v63  }
0x173: {  	v3 =	vadd.s32 v1, v3;
	s20 =	simm.s32 $0xD100  }
0x174: {  	[tilespmem:s20], [sflag:$0x1] =	stream.indirect_vreg.gather [hbm4b:s6+s3], $0x80, v4, vm0, $0xb8;
	[tilespmem:$0x18100] =	vst v63  }
0x175: {  	s20 =	simm.s32 $0xD900  }
0x176: {  	[tilespmem:s20], [sflag:$0x1] =	stream.indirect_vreg.gather [hbm4b:s7+s3], $0x80, v4, vm0, $0xb8;
	[tilespmem:$0x18100] =	vst v63  }
0x177: {  	s20 =	simm.s32 $0xE100  }
0x178: {  	[tilespmem:s20], [sflag:$0x1] =	stream.indirect_vreg.gather [hbm4b:s2+s3], $0x80, v3, vm0, $0xb8;
	[tilespmem:$0x18100] =	vst v63  }
0x179: {  	s20 =	simm.s32 $0xE900  }
0x17a: {  	[tilespmem:s20], [sflag:$0x1] =	stream.indirect_vreg.gather [hbm4b:s5+s3], $0x80, v3, vm0, $0xb8;
	[tilespmem:$0x18100] =	vst v63  }
0x17b: {  	s20 =	simm.s32 $0xF100  }
0x17c: {  	[tilespmem:s20], [sflag:$0x1] =	stream.indirect_vreg.gather [hbm4b:s6+s3], $0x80, v3, vm0, $0xb8;
	[tilespmem:$0x18100] =	vst v63  }
0x17d: {  	s20 =	simm.s32 $0xF900  }
0x17e: {  	[tilespmem:s20], [sflag:$0x1] =	stream.indirect_vreg.gather [hbm4b:s7+s3], $0x80, v3, vm0, $0xb8;
	[tilespmem:$0x18100] =	vst v63  }
0x17f: {  	_ =	swait.ge [sflag:s19], $0x10000  }
0x180: {  	p0 =	sne.s32 s8, $0x1;
	[sflag:s19] =	ssyncset.done $0x0  }
.Ltmp0:
0x181: {  	s1 =	rddreg [dreg:$0x6];
	[sflag:s19] =	ssyncadd.s32 $0xFFFF0000;
	(pc) =	sbr.rel @p0 .LBB2_1-.Ltmp0, $4  }
0x182: {  	[hbm4b:s1+s3] =	stream.linear.scatter [tilespmem:s0], [sflag:$0x2], $0x10000, $0x38;
	[tilespmem:$0x18100] =	vst v63  }
0x183: {  	_ =	swait.ge [sflag:s9], $0x10000  }
0x184: {  	[sflag:s9] =	ssyncset.done $0x0  }
0x185: {  	s8 =	sadd.s32 $0xFFFFFFFF, s8;
	[sflag:s9] =	ssyncadd.s32 $0xFFFF0000  }
0x186: {  	_ =	sfence.sel $0x180000  }
0x187: {  	[bflag:$0x0] =	sbarrier.arrive $0xFFFF  }
0x188: {  	_ =	strace $0x90000047  }
0x189: {  	s0 =	stileid.u32;
	[bflag:$0x2] =	sbarrier.arrive $0xFFFF  }
0x18a: {  	p0 =	sne.s32 s0, $0x0;
	s0 =	rddreg [dreg:$0x3]  }
0x18b: {  	s0 =	sadd.s32 @!p0 $0x100000, s0  }
0x18c: {  	[sflag:s0] =	ssyncadd.tile.s32 @!p0 $0x1;
	_ =	shalt  }
.Lfunc_end2:
_tile_overlayer_lowered:
.L_overlay_start_2:
0x18d: {  	(tag) =	ssettag $0x2  }
0x18e: {  	s0 =	rddreg [dreg:$0x0];
	s2 =	stileid.u32  }
0x18f: {  	s1 =	rddreg [dreg:$0x1];
	p0 =	sne.s32 s2, $0x0  }
0x190: {  	s3 =	rddreg [dreg:$0x2];
	[bflag:$0x3] =	sbarrier.arrive $0xFFFF;
	s2 =	simm.s32 @!p0 $0x1C02  }
0x191: {  	[timem:s3], [sflag:s2] =	dma.local @!p0 [hbm:s0], s1  }
0x192: {  	s0 =	simm.s32 @!p0 $0x2  }
0x193: {  	_ =	swait.ge @!p0 [sflag:s0], s1  }
0x194: {  	s1 =	ssub.s32 @!p0 $0x0, s1;
	[sflag:s0] =	ssyncset.done @!p0 $0x0  }
0x195: {  	[sflag:s0] =	ssyncadd.s32 @!p0 s1  }
0x196: {  	[bflag:$0x3] =	sbarrier.arrive $0xFFFF  }
0x197: {  	_ =	shalt  }

</sc_bundles>
